<compile_context>
chip_gen: v7x
topology: tpu7x:2x2x1
jax: 0.10.2.dev20260603
libtpu: 0.0.44.dev20260713+nightly
codegen_flags: <defaults>
</compile_context>

<pallas_src>
import functools

import jax
import jax.numpy as jnp
from jax import lax
from jax.experimental import pallas as pl
from jax.experimental.pallas import tpu as pltpu
from jax.experimental.pallas import tpu_sc as plsc

_CHUNK = 128
_K = 2
_NC = 2
_NW = 16 * _NC


@jax.jit
def _sc_gather(idx2d, table):
    n_chunks_total, _ = idx2d.shape
    dpad = table.shape[1]
    d = dpad // 2
    n = n_chunks_total * _CHUNK
    c_per_w = n_chunks_total // _NW
    n_rounds = c_per_w // _K
    mesh = plsc.VectorSubcoreMesh(
        core_axis_name="c", subcore_axis_name="s", num_cores=_NC
    )

    @functools.partial(
        pl.kernel,
        out_type=jax.ShapeDtypeStruct((n, dpad), jnp.float32),
        mesh=mesh,
        scratch_types=[
            pltpu.VMEM((c_per_w, _CHUNK), jnp.int32),
            pltpu.VMEM((2, _K, _CHUNK, dpad), jnp.float32),
            pltpu.SemaphoreType.DMA,
            pltpu.SemaphoreType.DMA,
        ],
        compiler_params=pltpu.CompilerParams(
            use_tc_tiling_on_sc=True, skip_device_barrier=True
        ),
    )
    def gather_kernel(idx_hbm, table_hbm, out_hbm, idx_v, rows_v, sem0, sem1):
        wid = lax.axis_index("s") * _NC + lax.axis_index("c")
        chunk0 = wid * c_per_w
        sems = (sem0, sem1)

        pltpu.sync_copy(idx_hbm.at[pl.ds(chunk0, c_per_w)], idx_v)

        def fire(r, g):
            for b in range(_K):
                c = r * _K + b
                pltpu.async_copy(
                    table_hbm.at[idx_v.at[c]],
                    rows_v.at[g, b],
                    sems[g],
                )

        def drain_and_store(r, g):
            for b in range(_K):
                c = r * _K + b
                pltpu.make_async_copy(
                    table_hbm.at[idx_v.at[c]],
                    rows_v.at[g, b],
                    sems[g],
                ).wait()
            for b in range(_K):
                c = r * _K + b
                pltpu.sync_copy(
                    rows_v.at[g, b],
                    out_hbm.at[pl.ds((chunk0 + c) * _CHUNK, _CHUNK)],
                )

        fire(0, 0)
        fire(1, 1)

        def body(rr, carry):
            r0 = 2 * rr
            drain_and_store(r0, 0)

            @pl.when(r0 + 2 < n_rounds)
            def _():
                fire(r0 + 2, 0)

            drain_and_store(r0 + 1, 1)

            @pl.when(r0 + 3 < n_rounds)
            def _():
                fire(r0 + 3, 1)

            return carry

        lax.fori_loop(0, n_rounds // 2, body, 0)

    return gather_kernel(idx2d, table)


def kernel(x, W_E):
    b, p = x.shape
    d, v = W_E.shape
    n = b * p
    table = jnp.pad(W_E.T, ((0, 0), (0, d)))
    idx2d = x.reshape(n // _CHUNK, _CHUNK)
    out = _sc_gather(idx2d, table)
    return out[:, :d].reshape(b, p, d)

# --- scband reference (transcript-rebuilt; emitter-appended) ---
"""Pipeline reference for scband-embed-25091198943269 (READ-ONLY COPY).

The authoritative reference and input builder live on the scoring server;
editing this copy changes nothing except your own understanding.
"""

import jax, jax.numpy as jnp
import numpy as np

D_VOCAB = 1000000
D_MODEL = 64
BATCH = 4096
POS = 200

def setup_inputs(seed: int = 0) -> dict:
    key = jax.random.key(seed)
    k1, k2 = jax.random.split(key)
    x = jax.random.randint(k1, (BATCH, POS), 0, D_VOCAB, dtype=jnp.int64) if jax.config.jax_enable_x64 else jax.random.randint(k1, (BATCH, POS), 0, D_VOCAB, dtype=jnp.int32)
    W_E = jax.random.normal(k2, (D_MODEL, D_VOCAB), dtype=jnp.float32) / np.sqrt(D_MODEL)
    return {"x": x, "W_E": W_E}

def reference(x, W_E):
    # torch: t.einsum('dbp -> bpd', self.W_E[:, x])
    # W_E[:, x] has shape (d_model, batch, pos); transpose to (batch, pos, d_model)
    gathered = W_E[:, x]
    return jnp.transpose(gathered, (1, 2, 0))

if __name__ == "__main__":
    import jax
    _d = setup_inputs()
    print(jax.jit(kernel)(*tuple(_d.values())))

</pallas_src>

<mosaic_0001>
#map = affine_map<(d0, d1) -> (0, 0)>
module attributes {stable_mosaic.version = 14 : i64} {
  func.func @gather_kernel(%arg0: i32, %arg1: i32, %arg2: memref<6400x128xi32, #tpu.memory_space<hbm>>, %arg3: memref<1000000x128xf32, #tpu.memory_space<hbm>>, %arg4: memref<819200x128xf32, #tpu.memory_space<hbm>>, %arg5: memref<200x128xi32, #tpu.memory_space<vmem>>, %arg6: memref<2x2x128x128xf32, #tpu.memory_space<vmem>>, %arg7: memref<!tpu.dma_semaphore, #tpu.memory_space<semaphore_mem>>, %arg8: memref<!tpu.dma_semaphore, #tpu.memory_space<semaphore_mem>>) attributes {dimension_semantics = [#tpu.dimension_semantics<core_parallel>, #tpu.dimension_semantics<subcore_parallel>], iteration_bounds = array<i64: 2, 16>, scalar_prefetch = 0 : i64, scratch_operands = 4 : i64, tpu.core_type = #tpu.core_type<sc_vector_subcore>, window_params = [{transform_indices = #map}, {transform_indices = #map}, {transform_indices = #map}]} {
    %mul3A = arith.constant 2 : i32
    %mul3A_0 = arith.muli %arg1, %mul3A : i32
    %add3A = arith.addi %mul3A_0, %arg0 : i32
    %mul3A_1 = arith.constant 200 : i32
    %mul3A_2 = arith.muli %add3A, %mul3A_1 : i32
    "tpu.region"() ({
      %run_scoped3A = tpu.sem_alloc : memref<!tpu.dma_semaphore, #tpu.memory_space<semaphore_mem>>
      %dma_start3A_59 = arith.constant 0 : i32
      %dma_start3A_60 = tpu.memref_slice %arg2[%mul3A_2, %dma_start3A_59] : memref<6400x128xi32, #tpu.memory_space<hbm>> -> memref<200x128xi32, #tpu.memory_space<hbm>>
      %dma_start3A_61 = arith.constant 0 : i32
      %dma_start3A_62 = tpu.memref_slice %arg2[%mul3A_2, %dma_start3A_61] : memref<6400x128xi32, #tpu.memory_space<hbm>> -> memref<200x128xi32, #tpu.memory_space<hbm>>
      tpu.enqueue_dma source(%dma_start3A_62 : memref<200x128xi32, #tpu.memory_space<hbm>>) target(%arg5 : memref<200x128xi32, #tpu.memory_space<vmem>>) target_semaphore(%run_scoped3A : memref<!tpu.dma_semaphore, #tpu.memory_space<semaphore_mem>>)
      %dma_wait3A = arith.constant 0 : i32
      %dma_wait3A_63 = tpu.memref_slice %arg2[%mul3A_2, %dma_wait3A] : memref<6400x128xi32, #tpu.memory_space<hbm>> -> memref<200x128xi32, #tpu.memory_space<hbm>>
      %dma_wait3A_64 = arith.constant 0 : i32
      %dma_wait3A_65 = tpu.memref_slice %arg2[%mul3A_2, %dma_wait3A_64] : memref<6400x128xi32, #tpu.memory_space<hbm>> -> memref<200x128xi32, #tpu.memory_space<hbm>>
      tpu.wait_dma2 semaphore(%run_scoped3A : memref<!tpu.dma_semaphore, #tpu.memory_space<semaphore_mem>>) src(%dma_wait3A_65 : memref<200x128xi32, #tpu.memory_space<hbm>>) dst(%arg5 : memref<200x128xi32, #tpu.memory_space<vmem>>)
      tpu.yield
    }) : () -> ()
    %dma_start3A = arith.constant 0 : i32
    %dma_start3A_3 = arith.constant 0 : i32
    %dma_start3A_4 = arith.constant 0 : i32
    %dma_start3A_5 = arith.constant 0 : i32
    %dma_start3A_6 = arith.constant 0 : i32
    %dma_start3A_7 = tpu.memref_slice %arg6[%dma_start3A_3, %dma_start3A_4, %dma_start3A_5, %dma_start3A_6] : memref<2x2x128x128xf32, #tpu.memory_space<vmem>> -> memref<1x1x128x128xf32, #tpu.memory_space<vmem>>
    %dma_start3A_8 = tpu.memref_squeeze %dma_start3A_7 : memref<1x1x128x128xf32, #tpu.memory_space<vmem>> -> memref<128x128xf32, #tpu.memory_space<vmem>>
    %dma_start3A_9 = arith.constant 0 : i32
    %dma_start3A_10 = tpu.memref_slice %arg5[%dma_start3A, %dma_start3A_9] : memref<200x128xi32, #tpu.memory_space<vmem>> -> memref<1x128xi32, #tpu.memory_space<vmem>>
    %dma_start3A_11 = tpu.memref_squeeze %dma_start3A_10 : memref<1x128xi32, #tpu.memory_space<vmem>> -> memref<128xi32, #tpu.memory_space<vmem>>
    %dma_start3A_12 = arith.constant 0 : i32
    %dma_start3A_13 = arith.constant 0 : i32
    %dma_start3A_14 = tpu.memref_slice %arg3[%dma_start3A_12, %dma_start3A_13] : memref<1000000x128xf32, #tpu.memory_space<hbm>> -> memref<1000000x128xf32, #tpu.memory_space<hbm>>
    tpu.enqueue_indirect_dma source(%dma_start3A_14 : memref<1000000x128xf32, #tpu.memory_space<hbm>>) target(%dma_start3A_8 : memref<128x128xf32, #tpu.memory_space<vmem>>) offsets(%dma_start3A_11 : memref<128xi32, #tpu.memory_space<vmem>>) semaphore(%arg7 : memref<!tpu.dma_semaphore, #tpu.memory_space<semaphore_mem>>)
    %dma_start3A_15 = arith.constant 1 : i32
    %dma_start3A_16 = arith.constant 0 : i32
    %dma_start3A_17 = arith.constant 1 : i32
    %dma_start3A_18 = arith.constant 0 : i32
    %dma_start3A_19 = arith.constant 0 : i32
    %dma_start3A_20 = tpu.memref_slice %arg6[%dma_start3A_16, %dma_start3A_17, %dma_start3A_18, %dma_start3A_19] : memref<2x2x128x128xf32, #tpu.memory_space<vmem>> -> memref<1x1x128x128xf32, #tpu.memory_space<vmem>>
    %dma_start3A_21 = tpu.memref_squeeze %dma_start3A_20 : memref<1x1x128x128xf32, #tpu.memory_space<vmem>> -> memref<128x128xf32, #tpu.memory_space<vmem>>
    %dma_start3A_22 = arith.constant 0 : i32
    %dma_start3A_23 = tpu.memref_slice %arg5[%dma_start3A_15, %dma_start3A_22] : memref<200x128xi32, #tpu.memory_space<vmem>> -> memref<1x128xi32, #tpu.memory_space<vmem>>
    %dma_start3A_24 = tpu.memref_squeeze %dma_start3A_23 : memref<1x128xi32, #tpu.memory_space<vmem>> -> memref<128xi32, #tpu.memory_space<vmem>>
    %dma_start3A_25 = arith.constant 0 : i32
    %dma_start3A_26 = arith.constant 0 : i32
    %dma_start3A_27 = tpu.memref_slice %arg3[%dma_start3A_25, %dma_start3A_26] : memref<1000000x128xf32, #tpu.memory_space<hbm>> -> memref<1000000x128xf32, #tpu.memory_space<hbm>>
    tpu.enqueue_indirect_dma source(%dma_start3A_27 : memref<1000000x128xf32, #tpu.memory_space<hbm>>) target(%dma_start3A_21 : memref<128x128xf32, #tpu.memory_space<vmem>>) offsets(%dma_start3A_24 : memref<128xi32, #tpu.memory_space<vmem>>) semaphore(%arg7 : memref<!tpu.dma_semaphore, #tpu.memory_space<semaphore_mem>>)
    %dma_start3A_28 = arith.constant 2 : i32
    %dma_start3A_29 = arith.constant 1 : i32
    %dma_start3A_30 = arith.constant 0 : i32
    %dma_start3A_31 = arith.constant 0 : i32
    %dma_start3A_32 = arith.constant 0 : i32
    %dma_start3A_33 = tpu.memref_slice %arg6[%dma_start3A_29, %dma_start3A_30, %dma_start3A_31, %dma_start3A_32] : memref<2x2x128x128xf32, #tpu.memory_space<vmem>> -> memref<1x1x128x128xf32, #tpu.memory_space<vmem>>
    %dma_start3A_34 = tpu.memref_squeeze %dma_start3A_33 : memref<1x1x128x128xf32, #tpu.memory_space<vmem>> -> memref<128x128xf32, #tpu.memory_space<vmem>>
    %dma_start3A_35 = arith.constant 0 : i32
    %dma_start3A_36 = tpu.memref_slice %arg5[%dma_start3A_28, %dma_start3A_35] : memref<200x128xi32, #tpu.memory_space<vmem>> -> memref<1x128xi32, #tpu.memory_space<vmem>>
    %dma_start3A_37 = tpu.memref_squeeze %dma_start3A_36 : memref<1x128xi32, #tpu.memory_space<vmem>> -> memref<128xi32, #tpu.memory_space<vmem>>
    %dma_start3A_38 = arith.constant 0 : i32
    %dma_start3A_39 = arith.constant 0 : i32
    %dma_start3A_40 = tpu.memref_slice %arg3[%dma_start3A_38, %dma_start3A_39] : memref<1000000x128xf32, #tpu.memory_space<hbm>> -> memref<1000000x128xf32, #tpu.memory_space<hbm>>
    tpu.enqueue_indirect_dma source(%dma_start3A_40 : memref<1000000x128xf32, #tpu.memory_space<hbm>>) target(%dma_start3A_34 : memref<128x128xf32, #tpu.memory_space<vmem>>) offsets(%dma_start3A_37 : memref<128xi32, #tpu.memory_space<vmem>>) semaphore(%arg8 : memref<!tpu.dma_semaphore, #tpu.memory_space<semaphore_mem>>)
    %dma_start3A_41 = arith.constant 3 : i32
    %dma_start3A_42 = arith.constant 1 : i32
    %dma_start3A_43 = arith.constant 1 : i32
    %dma_start3A_44 = arith.constant 0 : i32
    %dma_start3A_45 = arith.constant 0 : i32
    %dma_start3A_46 = tpu.memref_slice %arg6[%dma_start3A_42, %dma_start3A_43, %dma_start3A_44, %dma_start3A_45] : memref<2x2x128x128xf32, #tpu.memory_space<vmem>> -> memref<1x1x128x128xf32, #tpu.memory_space<vmem>>
    %dma_start3A_47 = tpu.memref_squeeze %dma_start3A_46 : memref<1x1x128x128xf32, #tpu.memory_space<vmem>> -> memref<128x128xf32, #tpu.memory_space<vmem>>
    %dma_start3A_48 = arith.constant 0 : i32
    %dma_start3A_49 = tpu.memref_slice %arg5[%dma_start3A_41, %dma_start3A_48] : memref<200x128xi32, #tpu.memory_space<vmem>> -> memref<1x128xi32, #tpu.memory_space<vmem>>
    %dma_start3A_50 = tpu.memref_squeeze %dma_start3A_49 : memref<1x128xi32, #tpu.memory_space<vmem>> -> memref<128xi32, #tpu.memory_space<vmem>>
    %dma_start3A_51 = arith.constant 0 : i32
    %dma_start3A_52 = arith.constant 0 : i32
    %dma_start3A_53 = tpu.memref_slice %arg3[%dma_start3A_51, %dma_start3A_52] : memref<1000000x128xf32, #tpu.memory_space<hbm>> -> memref<1000000x128xf32, #tpu.memory_space<hbm>>
    tpu.enqueue_indirect_dma source(%dma_start3A_53 : memref<1000000x128xf32, #tpu.memory_space<hbm>>) target(%dma_start3A_47 : memref<128x128xf32, #tpu.memory_space<vmem>>) offsets(%dma_start3A_50 : memref<128xi32, #tpu.memory_space<vmem>>) semaphore(%arg8 : memref<!tpu.dma_semaphore, #tpu.memory_space<semaphore_mem>>)
    %scan3A = arith.constant 0 : i32
    %scan3A_54 = arith.constant 0 : i32
    %scan3A_55 = arith.constant 50 : i32
    %scan3A_56 = arith.addi %scan3A_54, %scan3A_55 : i32
    %scan3A_57 = arith.constant 1 : i32
    scf.for %scan3A_59 = %scan3A_54 to %scan3A_56 step %scan3A_57  : i32 {
      %mul3A_60 = arith.constant 2 : i32
      %mul3A_61 = arith.muli %mul3A_60, %scan3A_59 : i32
      %mul3A_62 = arith.constant 2 : i32
      %mul3A_63 = arith.muli %mul3A_61, %mul3A_62 : i32
      %add3A_64 = arith.constant 0 : i32
      %add3A_65 = arith.addi %mul3A_63, %add3A_64 : i32
      %dma_wait3A = arith.constant 0 : i32
      %dma_wait3A_66 = arith.constant 0 : i32
      %dma_wait3A_67 = arith.constant 0 : i32
      %dma_wait3A_68 = arith.constant 0 : i32
      %dma_wait3A_69 = tpu.memref_slice %arg6[%dma_wait3A, %dma_wait3A_66, %dma_wait3A_67, %dma_wait3A_68] : memref<2x2x128x128xf32, #tpu.memory_space<vmem>> -> memref<1x1x128x128xf32, #tpu.memory_space<vmem>>
      %dma_wait3A_70 = tpu.memref_squeeze %dma_wait3A_69 : memref<1x1x128x128xf32, #tpu.memory_space<vmem>> -> memref<128x128xf32, #tpu.memory_space<vmem>>
      %dma_wait3A_71 = arith.constant 0 : i32
      %dma_wait3A_72 = tpu.memref_slice %arg5[%add3A_65, %dma_wait3A_71] : memref<200x128xi32, #tpu.memory_space<vmem>> -> memref<1x128xi32, #tpu.memory_space<vmem>>
      %dma_wait3A_73 = tpu.memref_squeeze %dma_wait3A_72 : memref<1x128xi32, #tpu.memory_space<vmem>> -> memref<128xi32, #tpu.memory_space<vmem>>
      %dma_wait3A_74 = arith.constant 0 : i32
      %dma_wait3A_75 = arith.constant 0 : i32
      %dma_wait3A_76 = tpu.memref_slice %arg3[%dma_wait3A_74, %dma_wait3A_75] : memref<1000000x128xf32, #tpu.memory_space<hbm>> -> memref<1000000x128xf32, #tpu.memory_space<hbm>>
      tpu.wait_indirect_dma semaphore(%arg7 : memref<!tpu.dma_semaphore, #tpu.memory_space<semaphore_mem>>) src(%dma_wait3A_76 : memref<1000000x128xf32, #tpu.memory_space<hbm>>) dst(%dma_wait3A_70 : memref<128x128xf32, #tpu.memory_space<vmem>>)
      %mul3A_77 = arith.constant 2 : i32
      %mul3A_78 = arith.muli %mul3A_61, %mul3A_77 : i32
      %add3A_79 = arith.constant 1 : i32
      %add3A_80 = arith.addi %mul3A_78, %add3A_79 : i32
      %dma_wait3A_81 = arith.constant 0 : i32
      %dma_wait3A_82 = arith.constant 1 : i32
      %dma_wait3A_83 = arith.constant 0 : i32
      %dma_wait3A_84 = arith.constant 0 : i32
      %dma_wait3A_85 = tpu.memref_slice %arg6[%dma_wait3A_81, %dma_wait3A_82, %dma_wait3A_83, %dma_wait3A_84] : memref<2x2x128x128xf32, #tpu.memory_space<vmem>> -> memref<1x1x128x128xf32, #tpu.memory_space<vmem>>
      %dma_wait3A_86 = tpu.memref_squeeze %dma_wait3A_85 : memref<1x1x128x128xf32, #tpu.memory_space<vmem>> -> memref<128x128xf32, #tpu.memory_space<vmem>>
      %dma_wait3A_87 = arith.constant 0 : i32
      %dma_wait3A_88 = tpu.memref_slice %arg5[%add3A_80, %dma_wait3A_87] : memref<200x128xi32, #tpu.memory_space<vmem>> -> memref<1x128xi32, #tpu.memory_space<vmem>>
      %dma_wait3A_89 = tpu.memref_squeeze %dma_wait3A_88 : memref<1x128xi32, #tpu.memory_space<vmem>> -> memref<128xi32, #tpu.memory_space<vmem>>
      %dma_wait3A_90 = arith.constant 0 : i32
      %dma_wait3A_91 = arith.constant 0 : i32
      %dma_wait3A_92 = tpu.memref_slice %arg3[%dma_wait3A_90, %dma_wait3A_91] : memref<1000000x128xf32, #tpu.memory_space<hbm>> -> memref<1000000x128xf32, #tpu.memory_space<hbm>>
      tpu.wait_indirect_dma semaphore(%arg7 : memref<!tpu.dma_semaphore, #tpu.memory_space<semaphore_mem>>) src(%dma_wait3A_92 : memref<1000000x128xf32, #tpu.memory_space<hbm>>) dst(%dma_wait3A_86 : memref<128x128xf32, #tpu.memory_space<vmem>>)
      %mul3A_93 = arith.constant 2 : i32
      %mul3A_94 = arith.muli %mul3A_61, %mul3A_93 : i32
      %add3A_95 = arith.constant 0 : i32
      %add3A_96 = arith.addi %mul3A_94, %add3A_95 : i32
      %add3A_97 = arith.addi %mul3A_2, %add3A_96 : i32
      %mul3A_98 = arith.constant 128 : i32
      %mul3A_99 = arith.muli %add3A_97, %mul3A_98 : i32
      %run_scoped3A = arith.constant 0 : i32
      %run_scoped3A_100 = arith.constant 0 : i32
      "tpu.region"() ({
        %run_scoped3A_173 = tpu.sem_alloc : memref<!tpu.dma_semaphore, #tpu.memory_space<semaphore_mem>>
        %dma_start3A_174 = arith.constant 0 : i32
        %dma_start3A_175 = arith.constant 0 : i32
        %dma_start3A_176 = tpu.memref_slice %arg6[%run_scoped3A, %run_scoped3A_100, %dma_start3A_174, %dma_start3A_175] : memref<2x2x128x128xf32, #tpu.memory_space<vmem>> -> memref<1x1x128x128xf32, #tpu.memory_space<vmem>>
        %dma_start3A_177 = tpu.memref_squeeze %dma_start3A_176 : memref<1x1x128x128xf32, #tpu.memory_space<vmem>> -> memref<128x128xf32, #tpu.memory_space<vmem>>
        %dma_start3A_178 = arith.constant 0 : i32
        %dma_start3A_179 = tpu.memref_slice %arg4[%mul3A_99, %dma_start3A_178] : memref<819200x128xf32, #tpu.memory_space<hbm>> -> memref<128x128xf32, #tpu.memory_space<hbm>>
        %dma_start3A_180 = arith.constant 0 : i32
        %dma_start3A_181 = tpu.memref_slice %arg4[%mul3A_99, %dma_start3A_180] : memref<819200x128xf32, #tpu.memory_space<hbm>> -> memref<128x128xf32, #tpu.memory_space<hbm>>
        %dma_start3A_182 = arith.constant 0 : i32
        %dma_start3A_183 = arith.constant 0 : i32
        %dma_start3A_184 = tpu.memref_slice %arg6[%run_scoped3A, %run_scoped3A_100, %dma_start3A_182, %dma_start3A_183] : memref<2x2x128x128xf32, #tpu.memory_space<vmem>> -> memref<1x1x128x128xf32, #tpu.memory_space<vmem>>
        %dma_start3A_185 = tpu.memref_squeeze %dma_start3A_184 : memref<1x1x128x128xf32, #tpu.memory_space<vmem>> -> memref<128x128xf32, #tpu.memory_space<vmem>>
        tpu.enqueue_dma source(%dma_start3A_185 : memref<128x128xf32, #tpu.memory_space<vmem>>) target(%dma_start3A_181 : memref<128x128xf32, #tpu.memory_space<hbm>>) target_semaphore(%run_scoped3A_173 : memref<!tpu.dma_semaphore, #tpu.memory_space<semaphore_mem>>)
        %dma_wait3A_186 = arith.constant 0 : i32
        %dma_wait3A_187 = arith.constant 0 : i32
        %dma_wait3A_188 = tpu.memref_slice %arg6[%run_scoped3A, %run_scoped3A_100, %dma_wait3A_186, %dma_wait3A_187] : memref<2x2x128x128xf32, #tpu.memory_space<vmem>> -> memref<1x1x128x128xf32, #tpu.memory_space<vmem>>
        %dma_wait3A_189 = tpu.memref_squeeze %dma_wait3A_188 : memref<1x1x128x128xf32, #tpu.memory_space<vmem>> -> memref<128x128xf32, #tpu.memory_space<vmem>>
        %dma_wait3A_190 = arith.constant 0 : i32
        %dma_wait3A_191 = tpu.memref_slice %arg4[%mul3A_99, %dma_wait3A_190] : memref<819200x128xf32, #tpu.memory_space<hbm>> -> memref<128x128xf32, #tpu.memory_space<hbm>>
        %dma_wait3A_192 = arith.constant 0 : i32
        %dma_wait3A_193 = tpu.memref_slice %arg4[%mul3A_99, %dma_wait3A_192] : memref<819200x128xf32, #tpu.memory_space<hbm>> -> memref<128x128xf32, #tpu.memory_space<hbm>>
        %dma_wait3A_194 = arith.constant 0 : i32
        %dma_wait3A_195 = arith.constant 0 : i32
        %dma_wait3A_196 = tpu.memref_slice %arg6[%run_scoped3A, %run_scoped3A_100, %dma_wait3A_194, %dma_wait3A_195] : memref<2x2x128x128xf32, #tpu.memory_space<vmem>> -> memref<1x1x128x128xf32, #tpu.memory_space<vmem>>
        %dma_wait3A_197 = tpu.memref_squeeze %dma_wait3A_196 : memref<1x1x128x128xf32, #tpu.memory_space<vmem>> -> memref<128x128xf32, #tpu.memory_space<vmem>>
        tpu.wait_dma2 semaphore(%run_scoped3A_173 : memref<!tpu.dma_semaphore, #tpu.memory_space<semaphore_mem>>) src(%dma_wait3A_197 : memref<128x128xf32, #tpu.memory_space<vmem>>) dst(%dma_wait3A_193 : memref<128x128xf32, #tpu.memory_space<hbm>>)
        tpu.yield
      }) : () -> ()
      %mul3A_101 = arith.constant 2 : i32
      %mul3A_102 = arith.muli %mul3A_61, %mul3A_101 : i32
      %add3A_103 = arith.constant 1 : i32
      %add3A_104 = arith.addi %mul3A_102, %add3A_103 : i32
      %add3A_105 = arith.addi %mul3A_2, %add3A_104 : i32
      %mul3A_106 = arith.constant 128 : i32
      %mul3A_107 = arith.muli %add3A_105, %mul3A_106 : i32
      %run_scoped3A_108 = arith.constant 0 : i32
      %run_scoped3A_109 = arith.constant 1 : i32
      "tpu.region"() ({
        %run_scoped3A_173 = tpu.sem_alloc : memref<!tpu.dma_semaphore, #tpu.memory_space<semaphore_mem>>
        %dma_start3A_174 = arith.constant 0 : i32
        %dma_start3A_175 = arith.constant 0 : i32
        %dma_start3A_176 = tpu.memref_slice %arg6[%run_scoped3A_108, %run_scoped3A_109, %dma_start3A_174, %dma_start3A_175] : memref<2x2x128x128xf32, #tpu.memory_space<vmem>> -> memref<1x1x128x128xf32, #tpu.memory_space<vmem>>
        %dma_start3A_177 = tpu.memref_squeeze %dma_start3A_176 : memref<1x1x128x128xf32, #tpu.memory_space<vmem>> -> memref<128x128xf32, #tpu.memory_space<vmem>>
        %dma_start3A_178 = arith.constant 0 : i32
        %dma_start3A_179 = tpu.memref_slice %arg4[%mul3A_107, %dma_start3A_178] : memref<819200x128xf32, #tpu.memory_space<hbm>> -> memref<128x128xf32, #tpu.memory_space<hbm>>
        %dma_start3A_180 = arith.constant 0 : i32
        %dma_start3A_181 = tpu.memref_slice %arg4[%mul3A_107, %dma_start3A_180] : memref<819200x128xf32, #tpu.memory_space<hbm>> -> memref<128x128xf32, #tpu.memory_space<hbm>>
        %dma_start3A_182 = arith.constant 0 : i32
        %dma_start3A_183 = arith.constant 0 : i32
        %dma_start3A_184 = tpu.memref_slice %arg6[%run_scoped3A_108, %run_scoped3A_109, %dma_start3A_182, %dma_start3A_183] : memref<2x2x128x128xf32, #tpu.memory_space<vmem>> -> memref<1x1x128x128xf32, #tpu.memory_space<vmem>>
        %dma_start3A_185 = tpu.memref_squeeze %dma_start3A_184 : memref<1x1x128x128xf32, #tpu.memory_space<vmem>> -> memref<128x128xf32, #tpu.memory_space<vmem>>
        tpu.enqueue_dma source(%dma_start3A_185 : memref<128x128xf32, #tpu.memory_space<vmem>>) target(%dma_start3A_181 : memref<128x128xf32, #tpu.memory_space<hbm>>) target_semaphore(%run_scoped3A_173 : memref<!tpu.dma_semaphore, #tpu.memory_space<semaphore_mem>>)
        %dma_wait3A_186 = arith.constant 0 : i32
        %dma_wait3A_187 = arith.constant 0 : i32
        %dma_wait3A_188 = tpu.memref_slice %arg6[%run_scoped3A_108, %run_scoped3A_109, %dma_wait3A_186, %dma_wait3A_187] : memref<2x2x128x128xf32, #tpu.memory_space<vmem>> -> memref<1x1x128x128xf32, #tpu.memory_space<vmem>>
        %dma_wait3A_189 = tpu.memref_squeeze %dma_wait3A_188 : memref<1x1x128x128xf32, #tpu.memory_space<vmem>> -> memref<128x128xf32, #tpu.memory_space<vmem>>
        %dma_wait3A_190 = arith.constant 0 : i32
        %dma_wait3A_191 = tpu.memref_slice %arg4[%mul3A_107, %dma_wait3A_190] : memref<819200x128xf32, #tpu.memory_space<hbm>> -> memref<128x128xf32, #tpu.memory_space<hbm>>
        %dma_wait3A_192 = arith.constant 0 : i32
        %dma_wait3A_193 = tpu.memref_slice %arg4[%mul3A_107, %dma_wait3A_192] : memref<819200x128xf32, #tpu.memory_space<hbm>> -> memref<128x128xf32, #tpu.memory_space<hbm>>
        %dma_wait3A_194 = arith.constant 0 : i32
        %dma_wait3A_195 = arith.constant 0 : i32
        %dma_wait3A_196 = tpu.memref_slice %arg6[%run_scoped3A_108, %run_scoped3A_109, %dma_wait3A_194, %dma_wait3A_195] : memref<2x2x128x128xf32, #tpu.memory_space<vmem>> -> memref<1x1x128x128xf32, #tpu.memory_space<vmem>>
        %dma_wait3A_197 = tpu.memref_squeeze %dma_wait3A_196 : memref<1x1x128x128xf32, #tpu.memory_space<vmem>> -> memref<128x128xf32, #tpu.memory_space<vmem>>
        tpu.wait_dma2 semaphore(%run_scoped3A_173 : memref<!tpu.dma_semaphore, #tpu.memory_space<semaphore_mem>>) src(%dma_wait3A_197 : memref<128x128xf32, #tpu.memory_space<vmem>>) dst(%dma_wait3A_193 : memref<128x128xf32, #tpu.memory_space<hbm>>)
        tpu.yield
      }) : () -> ()
      %add3A_110 = arith.constant 2 : i32
      %add3A_111 = arith.addi %mul3A_61, %add3A_110 : i32
      %lt3A = arith.constant 100 : i32
      %lt3A_112 = arith.cmpi slt, %add3A_111, %lt3A : i32
      %convert_element_type3A = arith.extui %lt3A_112 : i1 to i32
      %cond3A = arith.constant 0 : i32
      %cond3A_113 = arith.cmpi ne, %convert_element_type3A, %cond3A : i32
      scf.if %cond3A_113 {
        %add3A_173 = arith.constant 2 : i32
        %add3A_174 = arith.addi %mul3A_61, %add3A_173 : i32
        %mul3A_175 = arith.constant 2 : i32
        %mul3A_176 = arith.muli %add3A_174, %mul3A_175 : i32
        %add3A_177 = arith.constant 0 : i32
        %add3A_178 = arith.addi %mul3A_176, %add3A_177 : i32
        %dma_start3A_179 = arith.constant 0 : i32
        %dma_start3A_180 = arith.constant 0 : i32
        %dma_start3A_181 = arith.constant 0 : i32
        %dma_start3A_182 = arith.constant 0 : i32
        %dma_start3A_183 = tpu.memref_slice %arg6[%dma_start3A_179, %dma_start3A_180, %dma_start3A_181, %dma_start3A_182] : memref<2x2x128x128xf32, #tpu.memory_space<vmem>> -> memref<1x1x128x128xf32, #tpu.memory_space<vmem>>
        %dma_start3A_184 = tpu.memref_squeeze %dma_start3A_183 : memref<1x1x128x128xf32, #tpu.memory_space<vmem>> -> memref<128x128xf32, #tpu.memory_space<vmem>>
        %dma_start3A_185 = arith.constant 0 : i32
        %dma_start3A_186 = tpu.memref_slice %arg5[%add3A_178, %dma_start3A_185] : memref<200x128xi32, #tpu.memory_space<vmem>> -> memref<1x128xi32, #tpu.memory_space<vmem>>
        %dma_start3A_187 = tpu.memref_squeeze %dma_start3A_186 : memref<1x128xi32, #tpu.memory_space<vmem>> -> memref<128xi32, #tpu.memory_space<vmem>>
        %dma_start3A_188 = arith.constant 0 : i32
        %dma_start3A_189 = arith.constant 0 : i32
        %dma_start3A_190 = tpu.memref_slice %arg3[%dma_start3A_188, %dma_start3A_189] : memref<1000000x128xf32, #tpu.memory_space<hbm>> -> memref<1000000x128xf32, #tpu.memory_space<hbm>>
        tpu.enqueue_indirect_dma source(%dma_start3A_190 : memref<1000000x128xf32, #tpu.memory_space<hbm>>) target(%dma_start3A_184 : memref<128x128xf32, #tpu.memory_space<vmem>>) offsets(%dma_start3A_187 : memref<128xi32, #tpu.memory_space<vmem>>) semaphore(%arg7 : memref<!tpu.dma_semaphore, #tpu.memory_space<semaphore_mem>>)
        %mul3A_191 = arith.constant 2 : i32
        %mul3A_192 = arith.muli %add3A_174, %mul3A_191 : i32
        %add3A_193 = arith.constant 1 : i32
        %add3A_194 = arith.addi %mul3A_192, %add3A_193 : i32
        %dma_start3A_195 = arith.constant 0 : i32
        %dma_start3A_196 = arith.constant 1 : i32
        %dma_start3A_197 = arith.constant 0 : i32
        %dma_start3A_198 = arith.constant 0 : i32
        %dma_start3A_199 = tpu.memref_slice %arg6[%dma_start3A_195, %dma_start3A_196, %dma_start3A_197, %dma_start3A_198] : memref<2x2x128x128xf32, #tpu.memory_space<vmem>> -> memref<1x1x128x128xf32, #tpu.memory_space<vmem>>
        %dma_start3A_200 = tpu.memref_squeeze %dma_start3A_199 : memref<1x1x128x128xf32, #tpu.memory_space<vmem>> -> memref<128x128xf32, #tpu.memory_space<vmem>>
        %dma_start3A_201 = arith.constant 0 : i32
        %dma_start3A_202 = tpu.memref_slice %arg5[%add3A_194, %dma_start3A_201] : memref<200x128xi32, #tpu.memory_space<vmem>> -> memref<1x128xi32, #tpu.memory_space<vmem>>
        %dma_start3A_203 = tpu.memref_squeeze %dma_start3A_202 : memref<1x128xi32, #tpu.memory_space<vmem>> -> memref<128xi32, #tpu.memory_space<vmem>>
        %dma_start3A_204 = arith.constant 0 : i32
        %dma_start3A_205 = arith.constant 0 : i32
        %dma_start3A_206 = tpu.memref_slice %arg3[%dma_start3A_204, %dma_start3A_205] : memref<1000000x128xf32, #tpu.memory_space<hbm>> -> memref<1000000x128xf32, #tpu.memory_space<hbm>>
        tpu.enqueue_indirect_dma source(%dma_start3A_206 : memref<1000000x128xf32, #tpu.memory_space<hbm>>) target(%dma_start3A_200 : memref<128x128xf32, #tpu.memory_space<vmem>>) offsets(%dma_start3A_203 : memref<128xi32, #tpu.memory_space<vmem>>) semaphore(%arg7 : memref<!tpu.dma_semaphore, #tpu.memory_space<semaphore_mem>>)
      } else {
      }
      %add3A_114 = arith.constant 1 : i32
      %add3A_115 = arith.addi %mul3A_61, %add3A_114 : i32
      %mul3A_116 = arith.constant 2 : i32
      %mul3A_117 = arith.muli %add3A_115, %mul3A_116 : i32
      %add3A_118 = arith.constant 0 : i32
      %add3A_119 = arith.addi %mul3A_117, %add3A_118 : i32
      %dma_wait3A_120 = arith.constant 1 : i32
      %dma_wait3A_121 = arith.constant 0 : i32
      %dma_wait3A_122 = arith.constant 0 : i32
      %dma_wait3A_123 = arith.constant 0 : i32
      %dma_wait3A_124 = tpu.memref_slice %arg6[%dma_wait3A_120, %dma_wait3A_121, %dma_wait3A_122, %dma_wait3A_123] : memref<2x2x128x128xf32, #tpu.memory_space<vmem>> -> memref<1x1x128x128xf32, #tpu.memory_space<vmem>>
      %dma_wait3A_125 = tpu.memref_squeeze %dma_wait3A_124 : memref<1x1x128x128xf32, #tpu.memory_space<vmem>> -> memref<128x128xf32, #tpu.memory_space<vmem>>
      %dma_wait3A_126 = arith.constant 0 : i32
      %dma_wait3A_127 = tpu.memref_slice %arg5[%add3A_119, %dma_wait3A_126] : memref<200x128xi32, #tpu.memory_space<vmem>> -> memref<1x128xi32, #tpu.memory_space<vmem>>
      %dma_wait3A_128 = tpu.memref_squeeze %dma_wait3A_127 : memref<1x128xi32, #tpu.memory_space<vmem>> -> memref<128xi32, #tpu.memory_space<vmem>>
      %dma_wait3A_129 = arith.constant 0 : i32
      %dma_wait3A_130 = arith.constant 0 : i32
      %dma_wait3A_131 = tpu.memref_slice %arg3[%dma_wait3A_129, %dma_wait3A_130] : memref<1000000x128xf32, #tpu.memory_space<hbm>> -> memref<1000000x128xf32, #tpu.memory_space<hbm>>
      tpu.wait_indirect_dma semaphore(%arg8 : memref<!tpu.dma_semaphore, #tpu.memory_space<semaphore_mem>>) src(%dma_wait3A_131 : memref<1000000x128xf32, #tpu.memory_space<hbm>>) dst(%dma_wait3A_125 : memref<128x128xf32, #tpu.memory_space<vmem>>)
      %mul3A_132 = arith.constant 2 : i32
      %mul3A_133 = arith.muli %add3A_115, %mul3A_132 : i32
      %add3A_134 = arith.constant 1 : i32
      %add3A_135 = arith.addi %mul3A_133, %add3A_134 : i32
      %dma_wait3A_136 = arith.constant 1 : i32
      %dma_wait3A_137 = arith.constant 1 : i32
      %dma_wait3A_138 = arith.constant 0 : i32
      %dma_wait3A_139 = arith.constant 0 : i32
      %dma_wait3A_140 = tpu.memref_slice %arg6[%dma_wait3A_136, %dma_wait3A_137, %dma_wait3A_138, %dma_wait3A_139] : memref<2x2x128x128xf32, #tpu.memory_space<vmem>> -> memref<1x1x128x128xf32, #tpu.memory_space<vmem>>
      %dma_wait3A_141 = tpu.memref_squeeze %dma_wait3A_140 : memref<1x1x128x128xf32, #tpu.memory_space<vmem>> -> memref<128x128xf32, #tpu.memory_space<vmem>>
      %dma_wait3A_142 = arith.constant 0 : i32
      %dma_wait3A_143 = tpu.memref_slice %arg5[%add3A_135, %dma_wait3A_142] : memref<200x128xi32, #tpu.memory_space<vmem>> -> memref<1x128xi32, #tpu.memory_space<vmem>>
      %dma_wait3A_144 = tpu.memref_squeeze %dma_wait3A_143 : memref<1x128xi32, #tpu.memory_space<vmem>> -> memref<128xi32, #tpu.memory_space<vmem>>
      %dma_wait3A_145 = arith.constant 0 : i32
      %dma_wait3A_146 = arith.constant 0 : i32
      %dma_wait3A_147 = tpu.memref_slice %arg3[%dma_wait3A_145, %dma_wait3A_146] : memref<1000000x128xf32, #tpu.memory_space<hbm>> -> memref<1000000x128xf32, #tpu.memory_space<hbm>>
      tpu.wait_indirect_dma semaphore(%arg8 : memref<!tpu.dma_semaphore, #tpu.memory_space<semaphore_mem>>) src(%dma_wait3A_147 : memref<1000000x128xf32, #tpu.memory_space<hbm>>) dst(%dma_wait3A_141 : memref<128x128xf32, #tpu.memory_space<vmem>>)
      %mul3A_148 = arith.constant 2 : i32
      %mul3A_149 = arith.muli %add3A_115, %mul3A_148 : i32
      %add3A_150 = arith.constant 0 : i32
      %add3A_151 = arith.addi %mul3A_149, %add3A_150 : i32
      %add3A_152 = arith.addi %mul3A_2, %add3A_151 : i32
      %mul3A_153 = arith.constant 128 : i32
      %mul3A_154 = arith.muli %add3A_152, %mul3A_153 : i32
      %run_scoped3A_155 = arith.constant 1 : i32
      %run_scoped3A_156 = arith.constant 0 : i32
      "tpu.region"() ({
        %run_scoped3A_173 = tpu.sem_alloc : memref<!tpu.dma_semaphore, #tpu.memory_space<semaphore_mem>>
        %dma_start3A_174 = arith.constant 0 : i32
        %dma_start3A_175 = arith.constant 0 : i32
        %dma_start3A_176 = tpu.memref_slice %arg6[%run_scoped3A_155, %run_scoped3A_156, %dma_start3A_174, %dma_start3A_175] : memref<2x2x128x128xf32, #tpu.memory_space<vmem>> -> memref<1x1x128x128xf32, #tpu.memory_space<vmem>>
        %dma_start3A_177 = tpu.memref_squeeze %dma_start3A_176 : memref<1x1x128x128xf32, #tpu.memory_space<vmem>> -> memref<128x128xf32, #tpu.memory_space<vmem>>
        %dma_start3A_178 = arith.constant 0 : i32
        %dma_start3A_179 = tpu.memref_slice %arg4[%mul3A_154, %dma_start3A_178] : memref<819200x128xf32, #tpu.memory_space<hbm>> -> memref<128x128xf32, #tpu.memory_space<hbm>>
        %dma_start3A_180 = arith.constant 0 : i32
        %dma_start3A_181 = tpu.memref_slice %arg4[%mul3A_154, %dma_start3A_180] : memref<819200x128xf32, #tpu.memory_space<hbm>> -> memref<128x128xf32, #tpu.memory_space<hbm>>
        %dma_start3A_182 = arith.constant 0 : i32
        %dma_start3A_183 = arith.constant 0 : i32
        %dma_start3A_184 = tpu.memref_slice %arg6[%run_scoped3A_155, %run_scoped3A_156, %dma_start3A_182, %dma_start3A_183] : memref<2x2x128x128xf32, #tpu.memory_space<vmem>> -> memref<1x1x128x128xf32, #tpu.memory_space<vmem>>
        %dma_start3A_185 = tpu.memref_squeeze %dma_start3A_184 : memref<1x1x128x128xf32, #tpu.memory_space<vmem>> -> memref<128x128xf32, #tpu.memory_space<vmem>>
        tpu.enqueue_dma source(%dma_start3A_185 : memref<128x128xf32, #tpu.memory_space<vmem>>) target(%dma_start3A_181 : memref<128x128xf32, #tpu.memory_space<hbm>>) target_semaphore(%run_scoped3A_173 : memref<!tpu.dma_semaphore, #tpu.memory_space<semaphore_mem>>)
        %dma_wait3A_186 = arith.constant 0 : i32
        %dma_wait3A_187 = arith.constant 0 : i32
        %dma_wait3A_188 = tpu.memref_slice %arg6[%run_scoped3A_155, %run_scoped3A_156, %dma_wait3A_186, %dma_wait3A_187] : memref<2x2x128x128xf32, #tpu.memory_space<vmem>> -> memref<1x1x128x128xf32, #tpu.memory_space<vmem>>
        %dma_wait3A_189 = tpu.memref_squeeze %dma_wait3A_188 : memref<1x1x128x128xf32, #tpu.memory_space<vmem>> -> memref<128x128xf32, #tpu.memory_space<vmem>>
        %dma_wait3A_190 = arith.constant 0 : i32
        %dma_wait3A_191 = tpu.memref_slice %arg4[%mul3A_154, %dma_wait3A_190] : memref<819200x128xf32, #tpu.memory_space<hbm>> -> memref<128x128xf32, #tpu.memory_space<hbm>>
        %dma_wait3A_192 = arith.constant 0 : i32
        %dma_wait3A_193 = tpu.memref_slice %arg4[%mul3A_154, %dma_wait3A_192] : memref<819200x128xf32, #tpu.memory_space<hbm>> -> memref<128x128xf32, #tpu.memory_space<hbm>>
        %dma_wait3A_194 = arith.constant 0 : i32
        %dma_wait3A_195 = arith.constant 0 : i32
        %dma_wait3A_196 = tpu.memref_slice %arg6[%run_scoped3A_155, %run_scoped3A_156, %dma_wait3A_194, %dma_wait3A_195] : memref<2x2x128x128xf32, #tpu.memory_space<vmem>> -> memref<1x1x128x128xf32, #tpu.memory_space<vmem>>
        %dma_wait3A_197 = tpu.memref_squeeze %dma_wait3A_196 : memref<1x1x128x128xf32, #tpu.memory_space<vmem>> -> memref<128x128xf32, #tpu.memory_space<vmem>>
        tpu.wait_dma2 semaphore(%run_scoped3A_173 : memref<!tpu.dma_semaphore, #tpu.memory_space<semaphore_mem>>) src(%dma_wait3A_197 : memref<128x128xf32, #tpu.memory_space<vmem>>) dst(%dma_wait3A_193 : memref<128x128xf32, #tpu.memory_space<hbm>>)
        tpu.yield
      }) : () -> ()
      %mul3A_157 = arith.constant 2 : i32
      %mul3A_158 = arith.muli %add3A_115, %mul3A_157 : i32
      %add3A_159 = arith.constant 1 : i32
      %add3A_160 = arith.addi %mul3A_158, %add3A_159 : i32
      %add3A_161 = arith.addi %mul3A_2, %add3A_160 : i32
      %mul3A_162 = arith.constant 128 : i32
      %mul3A_163 = arith.muli %add3A_161, %mul3A_162 : i32
      %run_scoped3A_164 = arith.constant 1 : i32
      %run_scoped3A_165 = arith.constant 1 : i32
      "tpu.region"() ({
        %run_scoped3A_173 = tpu.sem_alloc : memref<!tpu.dma_semaphore, #tpu.memory_space<semaphore_mem>>
        %dma_start3A_174 = arith.constant 0 : i32
        %dma_start3A_175 = arith.constant 0 : i32
        %dma_start3A_176 = tpu.memref_slice %arg6[%run_scoped3A_164, %run_scoped3A_165, %dma_start3A_174, %dma_start3A_175] : memref<2x2x128x128xf32, #tpu.memory_space<vmem>> -> memref<1x1x128x128xf32, #tpu.memory_space<vmem>>
        %dma_start3A_177 = tpu.memref_squeeze %dma_start3A_176 : memref<1x1x128x128xf32, #tpu.memory_space<vmem>> -> memref<128x128xf32, #tpu.memory_space<vmem>>
        %dma_start3A_178 = arith.constant 0 : i32
        %dma_start3A_179 = tpu.memref_slice %arg4[%mul3A_163, %dma_start3A_178] : memref<819200x128xf32, #tpu.memory_space<hbm>> -> memref<128x128xf32, #tpu.memory_space<hbm>>
        %dma_start3A_180 = arith.constant 0 : i32
        %dma_start3A_181 = tpu.memref_slice %arg4[%mul3A_163, %dma_start3A_180] : memref<819200x128xf32, #tpu.memory_space<hbm>> -> memref<128x128xf32, #tpu.memory_space<hbm>>
        %dma_start3A_182 = arith.constant 0 : i32
        %dma_start3A_183 = arith.constant 0 : i32
        %dma_start3A_184 = tpu.memref_slice %arg6[%run_scoped3A_164, %run_scoped3A_165, %dma_start3A_182, %dma_start3A_183] : memref<2x2x128x128xf32, #tpu.memory_space<vmem>> -> memref<1x1x128x128xf32, #tpu.memory_space<vmem>>
        %dma_start3A_185 = tpu.memref_squeeze %dma_start3A_184 : memref<1x1x128x128xf32, #tpu.memory_space<vmem>> -> memref<128x128xf32, #tpu.memory_space<vmem>>
        tpu.enqueue_dma source(%dma_start3A_185 : memref<128x128xf32, #tpu.memory_space<vmem>>) target(%dma_start3A_181 : memref<128x128xf32, #tpu.memory_space<hbm>>) target_semaphore(%run_scoped3A_173 : memref<!tpu.dma_semaphore, #tpu.memory_space<semaphore_mem>>)
        %dma_wait3A_186 = arith.constant 0 : i32
        %dma_wait3A_187 = arith.constant 0 : i32
        %dma_wait3A_188 = tpu.memref_slice %arg6[%run_scoped3A_164, %run_scoped3A_165, %dma_wait3A_186, %dma_wait3A_187] : memref<2x2x128x128xf32, #tpu.memory_space<vmem>> -> memref<1x1x128x128xf32, #tpu.memory_space<vmem>>
        %dma_wait3A_189 = tpu.memref_squeeze %dma_wait3A_188 : memref<1x1x128x128xf32, #tpu.memory_space<vmem>> -> memref<128x128xf32, #tpu.memory_space<vmem>>
        %dma_wait3A_190 = arith.constant 0 : i32
        %dma_wait3A_191 = tpu.memref_slice %arg4[%mul3A_163, %dma_wait3A_190] : memref<819200x128xf32, #tpu.memory_space<hbm>> -> memref<128x128xf32, #tpu.memory_space<hbm>>
        %dma_wait3A_192 = arith.constant 0 : i32
        %dma_wait3A_193 = tpu.memref_slice %arg4[%mul3A_163, %dma_wait3A_192] : memref<819200x128xf32, #tpu.memory_space<hbm>> -> memref<128x128xf32, #tpu.memory_space<hbm>>
        %dma_wait3A_194 = arith.constant 0 : i32
        %dma_wait3A_195 = arith.constant 0 : i32
        %dma_wait3A_196 = tpu.memref_slice %arg6[%run_scoped3A_164, %run_scoped3A_165, %dma_wait3A_194, %dma_wait3A_195] : memref<2x2x128x128xf32, #tpu.memory_space<vmem>> -> memref<1x1x128x128xf32, #tpu.memory_space<vmem>>
        %dma_wait3A_197 = tpu.memref_squeeze %dma_wait3A_196 : memref<1x1x128x128xf32, #tpu.memory_space<vmem>> -> memref<128x128xf32, #tpu.memory_space<vmem>>
        tpu.wait_dma2 semaphore(%run_scoped3A_173 : memref<!tpu.dma_semaphore, #tpu.memory_space<semaphore_mem>>) src(%dma_wait3A_197 : memref<128x128xf32, #tpu.memory_space<vmem>>) dst(%dma_wait3A_193 : memref<128x128xf32, #tpu.memory_space<hbm>>)
        tpu.yield
      }) : () -> ()
      %add3A_166 = arith.constant 3 : i32
      %add3A_167 = arith.addi %mul3A_61, %add3A_166 : i32
      %lt3A_168 = arith.constant 100 : i32
      %lt3A_169 = arith.cmpi slt, %add3A_167, %lt3A_168 : i32
      %convert_element_type3A_170 = arith.extui %lt3A_169 : i1 to i32
      %cond3A_171 = arith.constant 0 : i32
      %cond3A_172 = arith.cmpi ne, %convert_element_type3A_170, %cond3A_171 : i32
      scf.if %cond3A_172 {
        %add3A_173 = arith.constant 3 : i32
        %add3A_174 = arith.addi %mul3A_61, %add3A_173 : i32
        %mul3A_175 = arith.constant 2 : i32
        %mul3A_176 = arith.muli %add3A_174, %mul3A_175 : i32
        %add3A_177 = arith.constant 0 : i32
        %add3A_178 = arith.addi %mul3A_176, %add3A_177 : i32
        %dma_start3A_179 = arith.constant 1 : i32
        %dma_start3A_180 = arith.constant 0 : i32
        %dma_start3A_181 = arith.constant 0 : i32
        %dma_start3A_182 = arith.constant 0 : i32
        %dma_start3A_183 = tpu.memref_slice %arg6[%dma_start3A_179, %dma_start3A_180, %dma_start3A_181, %dma_start3A_182] : memref<2x2x128x128xf32, #tpu.memory_space<vmem>> -> memref<1x1x128x128xf32, #tpu.memory_space<vmem>>
        %dma_start3A_184 = tpu.memref_squeeze %dma_start3A_183 : memref<1x1x128x128xf32, #tpu.memory_space<vmem>> -> memref<128x128xf32, #tpu.memory_space<vmem>>
        %dma_start3A_185 = arith.constant 0 : i32
        %dma_start3A_186 = tpu.memref_slice %arg5[%add3A_178, %dma_start3A_185] : memref<200x128xi32, #tpu.memory_space<vmem>> -> memref<1x128xi32, #tpu.memory_space<vmem>>
        %dma_start3A_187 = tpu.memref_squeeze %dma_start3A_186 : memref<1x128xi32, #tpu.memory_space<vmem>> -> memref<128xi32, #tpu.memory_space<vmem>>
        %dma_start3A_188 = arith.constant 0 : i32
        %dma_start3A_189 = arith.constant 0 : i32
        %dma_start3A_190 = tpu.memref_slice %arg3[%dma_start3A_188, %dma_start3A_189] : memref<1000000x128xf32, #tpu.memory_space<hbm>> -> memref<1000000x128xf32, #tpu.memory_space<hbm>>
        tpu.enqueue_indirect_dma source(%dma_start3A_190 : memref<1000000x128xf32, #tpu.memory_space<hbm>>) target(%dma_start3A_184 : memref<128x128xf32, #tpu.memory_space<vmem>>) offsets(%dma_start3A_187 : memref<128xi32, #tpu.memory_space<vmem>>) semaphore(%arg8 : memref<!tpu.dma_semaphore, #tpu.memory_space<semaphore_mem>>)
        %mul3A_191 = arith.constant 2 : i32
        %mul3A_192 = arith.muli %add3A_174, %mul3A_191 : i32
        %add3A_193 = arith.constant 1 : i32
        %add3A_194 = arith.addi %mul3A_192, %add3A_193 : i32
        %dma_start3A_195 = arith.constant 1 : i32
        %dma_start3A_196 = arith.constant 1 : i32
        %dma_start3A_197 = arith.constant 0 : i32
        %dma_start3A_198 = arith.constant 0 : i32
        %dma_start3A_199 = tpu.memref_slice %arg6[%dma_start3A_195, %dma_start3A_196, %dma_start3A_197, %dma_start3A_198] : memref<2x2x128x128xf32, #tpu.memory_space<vmem>> -> memref<1x1x128x128xf32, #tpu.memory_space<vmem>>
        %dma_start3A_200 = tpu.memref_squeeze %dma_start3A_199 : memref<1x1x128x128xf32, #tpu.memory_space<vmem>> -> memref<128x128xf32, #tpu.memory_space<vmem>>
        %dma_start3A_201 = arith.constant 0 : i32
        %dma_start3A_202 = tpu.memref_slice %arg5[%add3A_194, %dma_start3A_201] : memref<200x128xi32, #tpu.memory_space<vmem>> -> memref<1x128xi32, #tpu.memory_space<vmem>>
        %dma_start3A_203 = tpu.memref_squeeze %dma_start3A_202 : memref<1x128xi32, #tpu.memory_space<vmem>> -> memref<128xi32, #tpu.memory_space<vmem>>
        %dma_start3A_204 = arith.constant 0 : i32
        %dma_start3A_205 = arith.constant 0 : i32
        %dma_start3A_206 = tpu.memref_slice %arg3[%dma_start3A_204, %dma_start3A_205] : memref<1000000x128xf32, #tpu.memory_space<hbm>> -> memref<1000000x128xf32, #tpu.memory_space<hbm>>
        tpu.enqueue_indirect_dma source(%dma_start3A_206 : memref<1000000x128xf32, #tpu.memory_space<hbm>>) target(%dma_start3A_200 : memref<128x128xf32, #tpu.memory_space<vmem>>) offsets(%dma_start3A_203 : memref<128xi32, #tpu.memory_space<vmem>>) semaphore(%arg8 : memref<!tpu.dma_semaphore, #tpu.memory_space<semaphore_mem>>)
      } else {
      }
    }
    %scan3A_58 = arith.constant 50 : i32
    return
  }
}

</mosaic_0001>

<sc_bundles>
// kernel: _sc_gather.3.cloned.1.call-start
scs
__scs_entry_jumppad:
0x0: {  	(pc) =	sbr.rel $0x88, $3  }
0x1: {  	(tag) =	ssettag $0x0;
	lr =	simm.s32 $0x1  }
0x2: {  	[smem:$0x3F9F] =	sst lr;
	_ =	strace $0xD0000000  }
0x3: {  	_ = 	snop  }
0x4: {  	_ = 	snop  }
0x5: {  	_ = 	snop  }
0x6: {  	_ = 	snop  }
0x7: {  	_ = 	snop  }
__scs_overlays_trampoline_lowered:
0x8: {  	[smem:$0x3FAE] =	sst s0  }
0x9: {  	[smem:$0x3FAF] =	sst s1  }
0xa: {  	[smem:$0x3FB0] =	sst s2  }
0xb: {  	[smem:$0x3FB1] =	sst s3  }
0xc: {  	[smem:$0x3FB2] =	sst s4  }
0xd: {  	[smem:$0x3FB3] =	sst s5  }
0xe: {  	[smem:$0x3FB4] =	sst s6  }
0xf: {  	[smem:$0x3FB5] =	sst s7  }
0x10: {  	[smem:$0x3FB6] =	sst s8  }
0x11: {  	[smem:$0x3FB7] =	sst s9;
	s0 =	simm.s32 @!p0 $0x0  }
0x12: {  	s1 =	sld [smem:$0x3F9D];
	s0 =	simm.s32 @p0 $0x1  }
0x13: {  	[smem:$0x3FB8] =	sst s0;
	s0 =	simm.s32 @!p1 $0x0  }
0x14: {  	s2 =	sld [smem:$0x3F9C];
	s0 =	simm.s32 @p1 $0x1  }
0x15: {  	[smem:$0x3FB9] =	sst s0;
	s0 =	simm.s32 @!p2 $0x0  }
0x16: {  	s3 =	sld [smem:$0x3FDB];
	s0 =	simm.s32 @p2 $0x1  }
0x17: {  	s4 =	simm.s32 $0x1BF5;
	[smem:$0x3FBB] =	sst s0  }
0x18: {  	s0 =	sld [smem:$0x3F9E];
	_ =	swait.ge [sflag:s4], $0x0  }
0x19: {  	s7 =	sld [smem:$0x3F9F]  }
0x1a: {  	s8 =	sadd.s32 $0xFFFFE003, lr  }
0x1b: {  	s9 =	sadd.s32 $0xFFFFFEF7, lr;
	s5 =	simm.s32 $0xFFFFFFFF;
	p2 =	slt.u32 s8, $0xFFFFF086  }
0x1c: {  	p1 =	slt.u32 s9, $0xF7A;
	s5 =	simm.s32 @!p2 $0x0  }
0x1d: {  	s5 =	simm.s32 @p1 $0x1;
	p0 =	seq.s32 s7, s2  }
0x1e: {  	s7 =	smul.u32 @!p0 $0xF7A, s2;
	p2 =	seq.s32 @!p0 s5, $0x0  }
0x1f: {  	s9 =	smul.u32 $0xF7A, s1;
	s8 =	simm.s32 @!p0 $0x1BF5;
	p2 =	por !p2, p0  }
0x20: {  	[sflag:s8] =	ssyncset.s32 @!p0 $0xFFFFF086;
	s6 =	sadd.s32 @!p0 s3, s7;
	s7 =	simm.s32 @!p0 $0x108  }
0x21: {  	s3 =	sadd.s32 s3, s9;
	s6 =	sadd.s32 @!p0 $0x88, s6;
	s7 =	simm.s32 @p2 $0x1082  }
0x22: {  	[simem:s7], [sflag:s8] =	dma.local @!p0 [hbm:s6], $0xF7A  }
0x23: {  	s9 =	sor.u32 $0xD0000000, s2;
	s6 =	simm.s32 $0x108;
	_ =	swait.ge @!p0 [sflag:s8], $0x0  }
0x24: {  	s3 =	sadd.s32 $0x88, s3;
	s6 =	simm.s32 @!p1 $0x1082;
	[sflag:s4] =	ssyncset.s32 $0xFFFFF086  }
0x25: {  	[simem:s6], [sflag:s4] =	dma.local [hbm:s3], $0xF7A  }
0x26: {  	[smem:$0x3F9F] =	sst s1;
	(tag) =	ssettag s2;
	_ =	strace s9  }
0x27: {  	s1 =	sld [smem:$0x3FAF]  }
0x28: {  	s2 =	sld [smem:$0x3FB0]  }
0x29: {  	s4 =	sld [smem:$0x3FB2]  }
0x2a: {  	p0 =	seq.s32 s5, $0x0;
	s5 =	sld [smem:$0x3FB3]  }
0x2b: {  	s6 =	sld [smem:$0x3FB4]  }
0x2c: {  	s7 =	sld [smem:$0x3FB5]  }
0x2d: {  	s3 =	simm.s32 $0x108;
	s8 =	sld [smem:$0x3FB6]  }
0x2e: {  	s3 =	simm.s32 @!p0 $0x1082;
	s9 =	sld [smem:$0x3FB7]  }
0x2f: {  	lr =	sadd.s32 s0, s3;
	s0 =	sld [smem:$0x3FAE]  }
0x30: {  	s3 =	sld [smem:$0x3FB1]  }
0x31: {  	[smem:$0x3FBA] =	sst s10  }
0x32: {  	s10 =	sld [smem:$0x3FB8];
	_ =	sdelay $0x3  }
0x33: {  	p0 =	seq.s32 s10, $0x1;
	s10 =	sld [smem:$0x3FBA];
	_ =	sdelay $0x3  }
0x34: {  	[smem:$0x3FBA] =	sst s10  }
0x35: {  	s10 =	sld [smem:$0x3FB9];
	_ =	sdelay $0x3  }
0x36: {  	p1 =	seq.s32 s10, $0x1;
	s10 =	sld [smem:$0x3FBA];
	_ =	sdelay $0x3  }
0x37: {  	[smem:$0x3FBA] =	sst s10  }
0x38: {  	s10 =	sld [smem:$0x3FBB]  }
0x39: {  	_ = 	snop;
	(pc) =	sbr.ind lr, $3  }
0x3a: {  	_ = 	snop  }
0x3b: {  	_ = 	snop  }
0x3c: {  	p2 =	seq.s32 s10, $0x1;
	s10 =	sld [smem:$0x3FBA]  }
0x3d: {  	_ =	shalt  }
0x3e: {  	_ =	shalt  }
0x3f: {  	_ =	shalt  }
0x40: {  	_ =	shalt  }
0x41: {  	_ =	shalt  }
0x42: {  	_ =	shalt  }
0x43: {  	_ =	shalt  }
0x44: {  	_ =	shalt  }
0x45: {  	_ =	shalt  }
0x46: {  	_ =	shalt  }
0x47: {  	_ =	shalt  }
0x48: {  	_ =	shalt  }
0x49: {  	_ =	shalt  }
0x4a: {  	_ =	shalt  }
0x4b: {  	_ =	shalt  }
0x4c: {  	_ =	shalt  }
0x4d: {  	_ =	shalt  }
0x4e: {  	_ =	shalt  }
0x4f: {  	_ =	shalt  }
0x50: {  	_ =	shalt  }
0x51: {  	_ =	shalt  }
0x52: {  	_ =	shalt  }
0x53: {  	_ =	shalt  }
0x54: {  	_ =	shalt  }
0x55: {  	_ =	shalt  }
0x56: {  	_ =	shalt  }
0x57: {  	_ =	shalt  }
0x58: {  	_ =	shalt  }
0x59: {  	_ =	shalt  }
0x5a: {  	_ =	shalt  }
0x5b: {  	_ =	shalt  }
0x5c: {  	_ =	shalt  }
0x5d: {  	_ =	shalt  }
0x5e: {  	_ =	shalt  }
0x5f: {  	_ =	shalt  }
0x60: {  	_ =	shalt  }
0x61: {  	_ =	shalt  }
0x62: {  	_ =	shalt  }
0x63: {  	_ =	shalt  }
0x64: {  	_ =	shalt  }
0x65: {  	_ =	shalt  }
0x66: {  	_ =	shalt  }
0x67: {  	_ =	shalt  }
0x68: {  	_ =	shalt  }
0x69: {  	_ =	shalt  }
0x6a: {  	_ =	shalt  }
0x6b: {  	_ =	shalt  }
0x6c: {  	_ =	shalt  }
0x6d: {  	_ =	shalt  }
0x6e: {  	_ =	shalt  }
0x6f: {  	_ =	shalt  }
0x70: {  	_ =	shalt  }
0x71: {  	_ =	shalt  }
0x72: {  	_ =	shalt  }
0x73: {  	_ =	shalt  }
0x74: {  	_ =	shalt  }
0x75: {  	_ =	shalt  }
0x76: {  	_ =	shalt  }
0x77: {  	_ =	shalt  }
0x78: {  	_ =	shalt  }
0x79: {  	_ =	shalt  }
0x7a: {  	_ =	shalt  }
0x7b: {  	_ =	shalt  }
0x7c: {  	_ =	shalt  }
0x7d: {  	_ =	shalt  }
0x7e: {  	_ =	shalt  }
0x7f: {  	_ =	shalt  }
0x80: {  	_ =	shalt  }
0x81: {  	_ =	shalt  }
0x82: {  	_ =	shalt  }
0x83: {  	_ =	shalt  }
0x84: {  	_ =	shalt  }
0x85: {  	_ =	shalt  }
0x86: {  	_ =	shalt  }
0x87: {  	_ =	shalt  }
.Lfunc_end0:
.L_simem_size_0:
called_computation_lowered:
.L_overlay_start_0:
0x88: {  	s2 =	sld [smem:$0x3FD9]  }
0x89: {  	s3 =	sld [smem:$0x3FFE];
	_ =	sdelay $0x1  }
0x8a: {  	s1 =	srdreg.scid  }
0x8b: {  	s0 =	sand.u32 $0x1, s1  }
0x8c: {  	s18 =	sshll.u32 s0, $0xA;
	s2 =	sadd.s32 s3, s2  }
0x8d: {  	s2 =	sadd.s32 s2, s18  }
0x8e: {  	[smem:$0x3FC6] =	sst s2  }
0x8f: {  	_ = 	snop  }
0x90: {  	s2 =	sld [smem:$0x3FC9]  }
0x91: {  	s19 =	sld [smem:$0x3FC8]  }
0x92: {  	s4 =	sld [smem:$0x3FD0];
	(tm) =	ssettm $0x1  }
0x93: {  	s5 =	sld [smem:$0x3FFB];
	_ =	sdelay $0x3  }
0x94: {  	_ =	strace s5  }
0x95: {  	s5 =	sld [smem:$0x3FFC];
	_ =	sdelay $0x3  }
0x96: {  	_ =	strace s5  }
0x97: {  	s5 =	sld [smem:$0x3FFD];
	_ =	sdelay $0x3  }
0x98: {  	_ =	strace s5  }
0x99: {  	_ =	strace $0x8FFFFFFF  }
0x9a: {  	s20 =	sld [smem:$0x3FDB];
	_ =	sdelay $0x1  }
0x9b: {  	s6 =	simm.s32 $_scs_section_size  }
0x9c: {  	s7 =	simm.s32 $_size__tile_overlayer_lowered;
	s8 =	simm.s32 $_tile_overlayer_lowered  }
0x9d: {  	s23 =	simm.s32 $0x1BFF;
	s22 =	sshll.u32 s8, $0x1;
	s5 =	sadd.s32 s6, s20  }
0x9e: {  	s9 =	simm.s32 $0x0;
	s21 =	sshll.u32 s7, $0x1;
	s7 =	sadd.s32 s22, s5  }
0x9f: {  	[timem:s9], [sflag:s23] =	dma.local [hbm:s7], s21  }
0xa0: {  	_ =	swait.ge [sflag:s23], s21  }
0xa1: {  	s6 =	ssub.s32 $0x0, s21;
	[sflag:s23] =	ssyncset.done $0x0  }
0xa2: {  	[sflag:s23] =	ssyncadd.s32 s6;
	_ =	sdelay $0x1  }
0xa3: {  	s24 =	simm.s32 $0x1B8B  }
0xa4: {  	_ =	swait.ge [sflag:s24], $0x1  }
0xa5: {  	[sflag:s24] =	ssyncset.done $0x0  }
0xa6: {  	s25 =	simm.s32 $0x1B8E;
	[sflag:s24] =	ssyncadd.s32 $0xFFFFFFFF  }
0xa7: {  	s26 =	simm.s32 $execute0_lowered;
	[smem:$0x3FD2] =	sst s25  }
0xa8: {  	s6 =	sshll.u32 s26, $0x1;
	_ =	strace $0x80000046;
	[dreg:$0x1] =	wrdreg $0xFFFFFFFF  }
0xa9: {  	s28 =	simm.s32 $_size_execute0_lowered;
	s5 =	sadd.s32 s5, s6;
	[dreg:$0x0] =	wrdreg $0x0  }
0xaa: {  	s6 =	sshll.u32 s28, $0x1;
	[dreg:$0x2] =	wrdreg s5  }
0xab: {  	[dreg:$0x3] =	wrdreg s6  }
0xac: {  	[dreg:$0x4] =	wrdreg $0xC0  }
0xad: {  	_ =	task [dreg:s9], $0x5FFFF  }
0xae: {  	[dreg:$0x1] =	wrdreg $0xFFFFFFFF  }
0xaf: {  	[dreg:$0x0] =	wrdreg $0x60  }
0xb0: {  	[dreg:$0x2] =	wrdreg s2  }
0xb1: {  	[dreg:$0x3] =	wrdreg s19  }
0xb2: {  	[dreg:$0x4] =	wrdreg s4  }
0xb3: {  	[dreg:$0x5] =	wrdreg $0x9  }
0xb4: {  	_ =	task.clear_ibuf [dreg:s9], $0x6FFFF;
	_ =	strace $0x90000046  }
0xb5: {  	s29 =	simm.s32 $0x9;
	_ =	strace $0x80000048  }
0xb6: {  	_ =	swait.ge [sflag:s29], $0x1  }
0xb7: {  	[sflag:s29] =	ssyncadd.s32 $0xFFFFFFFF  }
0xb8: {  	_ =	strace $0x90000048  }
0xb9: {  	_ =	sfence  }
0xba: {  	s30 =	sld [smem:$0x0];
	_ =	sdelay $0x2  }
0xbb: {  	s31 =	sshll.u32 s1, $0xD;
	s1 =	sshrl.u32 s1, $0x2  }
0xbc: {  	s3 =	sand.u32 $0x4000, s31;
	s1 =	sadd.s32 s1, s30  }
0xbd: {  	s0 =	sor.u32 s3, s0;
	s1 =	sshll.u32 s1, $0x11  }
0xbe: {  	s0 =	sor.u32 s1, s0  }
0xbf: {  	s0 =	sadd.s32 $0x8F2B, s0  }
0xc0: {  	[sflag:s0] =	ssyncadd.remote.s32 $0x1  }
0xc1: {  	_ =	sfence.sel $0xFFFF  }
0xc2: {  	[dreg:$0x0] =	wrdreg $0xFFFFFFFF;
	(pc) =	sbr.abs _section_cstart, $3  }
0xc3: {  	[dreg:$0x1] =	wrdreg $0xFFFFFFFF  }
0xc4: {  	_ =	task.clear_ibuf [dreg:s9], $0x2FFFF;
	_ =	strace $0x9FFFFFFF  }
0xc5: {  	(tm) =	ssettm $0x7FFFFFFF  }
tec
execute0_lowered:
.L_overlay_start_1:
0x0: {  	(tag) =	ssettag $0x1  }
0x1: {  	s4 =	rddreg [dreg:$0x0]  }
0x2: {  	s1 =	srdreg.scid;
	s2 =	rddreg [dreg:$0x1]  }
0x3: {  	s0 =	stileid.u32;
	s12 =	rddreg [dreg:$0x2];
	s3 =	simm.s32 $0x0  }
0x4: {  	s16 =	simm.s32 $0xA400;
	s17 =	simm.s32 $0x100;
	s18 =	simm.s32 $0xE400  }
0x5: {  	s19 =	simm.s32 $0x180;
	s20 =	simm.s32 $0x12400;
	s21 =	simm.s32 $0x1  }
0x6: {  	s22 =	simm.s32 $0x2;
	s23 =	simm.s32 $0x0;
	s8 =	smul.u32 $0x190, s0  }
0x7: {  	s10 =	sand.u32 $0x1, s1;
	s30 =	sshll.u32 s0, $0x1;
	s14 =	smul.u32 $0xC8000, s0  }
0x8: {  	s1 =	rddreg [dreg:$0x3];
	s5 =	sor.u32 s10, s30;
	s11 =	smul.u32 $0xC8, s10  }
0x9: {  	[smem:$0x7FF] =	sst s3;
	s7 =	ssub.s32 $0x2, s10;
	s6 =	smul.u32 $0xC80, s5  }
0xa: {  	_ =	strace $0x80000047;
	s5 =	smul.u32 $0x64000, s5;
	s9 =	sshrl.u32 s7, $0x1  }
0xb: {  	s15 =	smul.u32 $0x64000, s10;
	s7 =	ssub.s32 s7, s9;
	s8 =	sadd.s32 s11, s8  }
0xc: {  	s4 =	sadd.s32 s4, s6;
	s13 =	sadd.s32 s12, s5;
	s5 =	smax.u32 s7, $0x1  }
0xd: {  	s31 =	sshll.u32 s8, $0xB;
	s6 =	sadd.s32 $0x62000, s13;
	s7 =	sadd.s32 $0x62800, s13  }
0xe: {  	s8 =	sadd.s32 $0x63000, s13;
	s9 =	sadd.s32 s31, s12;
	s10 =	sadd.s32 $0x63800, s13  }
0xf: {  	s12 =	sadd.s32 s14, s12;
	s13 =	simm.s32 $0x3;
	s14 =	simm.s32 $0x80  }
0x10: {  	s11 =	sadd.s32 $0x1000, s9;
	s12 =	sadd.s32 s15, s12;
	s15 =	simm.s32 $0x6400  }
.LBB2_1:
0x11: {  	[tilespmem:s3], [sflag:$0x3] =	stream.linear.gather [hbm4b:s4+s3], $0x6400, $0x38;
	[tilespmem:$0x16400] =	vst v63  }
0x12: {  	_ =	swait.ge [sflag:s13], $0x6400  }
0x13: {  	[sflag:s13] =	ssyncset.done $0x0  }
0x14: {  	[sflag:s13] =	ssyncadd.s32 $0xFFFF9C00  }
0x15: {  	[tilespmem:s15], [sflag:$0x1] =	stream.indirect.gather [hbm4b:s2+s14], $0x80, s3, s14, $0xb8;
	[tilespmem:$0x16400] =	vst v63  }
0x16: {  	_ = 	snop  }
0x17: {  	[tilespmem:s16], [sflag:$0x1] =	stream.indirect.gather [hbm4b:s2+s14], $0x80, s14, s14, $0xb8;
	[tilespmem:$0x16400] =	vst v63  }
0x18: {  	_ = 	snop  }
0x19: {  	[tilespmem:s18], [sflag:$0x2] =	stream.indirect.gather [hbm4b:s2+s14], $0x80, s17, s14, $0xb8;
	[tilespmem:$0x16400] =	vst v63  }
0x1a: {  	_ = 	snop  }
0x1b: {  	[tilespmem:s20], [sflag:$0x2] =	stream.indirect.gather [hbm4b:s2+s14], $0x80, s19, s14, $0xb8;
	[tilespmem:$0x16400] =	vst v63  }
0x1c: {  	_ =	swait.ge [sflag:s21], $0x4000  }
0x1d: {  	[sflag:s21] =	ssyncset.done $0x0  }
0x1e: {  	[sflag:s21] =	ssyncadd.s32 $0xFFFFC000  }
0x1f: {  	_ =	swait.ge [sflag:s21], $0x4000  }
0x20: {  	[sflag:s21] =	ssyncset.done $0x0  }
0x21: {  	s24 =	sadd.s32 $0x0, s12;
	[sflag:s21] =	ssyncadd.s32 $0xFFFFC000  }
0x22: {  	[hbm4b:s24+s3] =	stream.linear.scatter [tilespmem:s15], [sflag:$0x3], $0x4000, $0x38;
	[tilespmem:$0x16400] =	vst v63  }
0x23: {  	_ =	swait.ge [sflag:s13], $0x4000  }
0x24: {  	s26 =	sadd.s32 $0x0, s9;
	[sflag:s13] =	ssyncset.done $0x0  }
0x25: {  	s25 =	sadd.s32 $0x800, s26;
	[sflag:s13] =	ssyncadd.s32 $0xFFFFC000  }
0x26: {  	[hbm4b:s25+s3] =	stream.linear.scatter [tilespmem:s16], [sflag:$0x3], $0x4000, $0x38;
	[tilespmem:$0x16400] =	vst v63  }
0x27: {  	_ =	swait.ge [sflag:s13], $0x4000  }
0x28: {  	[sflag:s13] =	ssyncset.done $0x0  }
0x29: {  	s28 =	simm.s32 $0x200;
	[sflag:s13] =	ssyncadd.s32 $0xFFFFC000  }
0x2a: {  	[tilespmem:s15], [sflag:$0x1] =	stream.indirect.gather [hbm4b:s2+s14], $0x80, s28, s14, $0xb8;
	[tilespmem:$0x16400] =	vst v63  }
0x2b: {  	s29 =	simm.s32 $0x280  }
0x2c: {  	[tilespmem:s16], [sflag:$0x1] =	stream.indirect.gather [hbm4b:s2+s14], $0x80, s29, s14, $0xb8;
	[tilespmem:$0x16400] =	vst v63  }
0x2d: {  	_ =	swait.ge [sflag:s22], $0x4000  }
0x2e: {  	[sflag:s22] =	ssyncset.done $0x0  }
0x2f: {  	[sflag:s22] =	ssyncadd.s32 $0xFFFFC000  }
0x30: {  	_ =	swait.ge [sflag:s22], $0x4000  }
0x31: {  	[sflag:s22] =	ssyncset.done $0x0  }
0x32: {  	s30 =	sadd.s32 $0x0, s11;
	[sflag:s22] =	ssyncadd.s32 $0xFFFFC000  }
0x33: {  	[hbm4b:s30+s3] =	stream.linear.scatter [tilespmem:s18], [sflag:$0x3], $0x4000, $0x38;
	[tilespmem:$0x16400] =	vst v63  }
0x34: {  	_ =	swait.ge [sflag:s13], $0x4000  }
0x35: {  	[sflag:s13] =	ssyncset.done $0x0  }
0x36: {  	s24 =	sadd.s32 $0x1800, s26;
	[sflag:s13] =	ssyncadd.s32 $0xFFFFC000  }
0x37: {  	[hbm4b:s24+s3] =	stream.linear.scatter [tilespmem:s20], [sflag:$0x3], $0x4000, $0x38;
	[tilespmem:$0x16400] =	vst v63  }
0x38: {  	_ =	swait.ge [sflag:s13], $0x4000  }
0x39: {  	s31 =	simm.s32 $0x300;
	s26 =	simm.s32 $0x580;
	[sflag:s13] =	ssyncset.done $0x0  }
0x3a: {  	s25 =	simm.s32 $0x2000;
	s24 =	simm.s32 $0x380;
	[sflag:s13] =	ssyncadd.s32 $0xFFFFC000  }
0x3b: {  	[tilespmem:s18], [sflag:$0x2] =	stream.indirect.gather [hbm4b:s2+s14], $0x80, s31, s14, $0xb8;
	[tilespmem:$0x16400] =	vst v63  }
.LBB2_2:
0x3c: {  	[tilespmem:s20], [sflag:$0x2] =	stream.indirect.gather [hbm4b:s2+s14], $0x80, s24, s14, $0xb8;
	[tilespmem:$0x16400] =	vst v63  }
0x3d: {  	s28 =	smov.u32 s25;
	s24 =	smov.u32 s26  }
0x3e: {  	p0 =	sne.s32 s25, $0x60000;
	s25 =	sadd.s32 $0x2000, s25;
	_ =	swait.ge [sflag:s21], $0x4000  }
0x3f: {  	[sflag:s21] =	ssyncset.done $0x0  }
0x40: {  	[sflag:s21] =	ssyncadd.s32 $0xFFFFC000  }
0x41: {  	_ =	swait.ge [sflag:s21], $0x4000  }
0x42: {  	[sflag:s21] =	ssyncset.done $0x0  }
0x43: {  	s29 =	sadd.s32 s28, s12;
	[sflag:s21] =	ssyncadd.s32 $0xFFFFC000  }
0x44: {  	[hbm4b:s29+s3] =	stream.linear.scatter [tilespmem:s15], [sflag:$0x3], $0x4000, $0x38;
	[tilespmem:$0x16400] =	vst v63  }
0x45: {  	_ =	swait.ge [sflag:s13], $0x4000  }
0x46: {  	s29 =	sadd.s32 s28, s9;
	[sflag:s13] =	ssyncset.done $0x0  }
0x47: {  	s30 =	sadd.s32 $0x800, s29;
	[sflag:s13] =	ssyncadd.s32 $0xFFFFC000  }
0x48: {  	[hbm4b:s30+s3] =	stream.linear.scatter [tilespmem:s16], [sflag:$0x3], $0x4000, $0x38;
	[tilespmem:$0x16400] =	vst v63  }
0x49: {  	_ =	swait.ge [sflag:s13], $0x4000  }
0x4a: {  	[sflag:s13] =	ssyncset.done $0x0  }
0x4b: {  	s30 =	sadd.s32 $0xFFFFFE80, s26;
	[sflag:s13] =	ssyncadd.s32 $0xFFFFC000  }
0x4c: {  	[tilespmem:s15], [sflag:$0x1] =	stream.indirect.gather [hbm4b:s2+s14], $0x80, s30, s14, $0xb8;
	[tilespmem:$0x16400] =	vst v63  }
0x4d: {  	s30 =	sadd.s32 $0xFFFFFF00, s26  }
0x4e: {  	[tilespmem:s16], [sflag:$0x1] =	stream.indirect.gather [hbm4b:s2+s14], $0x80, s30, s14, $0xb8;
	[tilespmem:$0x16400] =	vst v63  }
0x4f: {  	_ =	swait.ge [sflag:s22], $0x4000  }
0x50: {  	[sflag:s22] =	ssyncset.done $0x0  }
0x51: {  	[sflag:s22] =	ssyncadd.s32 $0xFFFFC000  }
0x52: {  	_ =	swait.ge [sflag:s22], $0x4000  }
0x53: {  	[sflag:s22] =	ssyncset.done $0x0  }
0x54: {  	s28 =	sadd.s32 s28, s11;
	[sflag:s22] =	ssyncadd.s32 $0xFFFFC000  }
0x55: {  	[hbm4b:s28+s3] =	stream.linear.scatter [tilespmem:s18], [sflag:$0x3], $0x4000, $0x38;
	[tilespmem:$0x16400] =	vst v63  }
0x56: {  	_ =	swait.ge [sflag:s13], $0x4000  }
0x57: {  	[sflag:s13] =	ssyncset.done $0x0  }
0x58: {  	s28 =	sadd.s32 $0x1800, s29;
	[sflag:s13] =	ssyncadd.s32 $0xFFFFC000  }
0x59: {  	[hbm4b:s28+s3] =	stream.linear.scatter [tilespmem:s20], [sflag:$0x3], $0x4000, $0x38;
	[tilespmem:$0x16400] =	vst v63  }
.Ltmp0:
0x5a: {  	_ =	swait.ge [sflag:s13], $0x4000;
	(pc) =	sbr.rel @p0 .LBB2_2-.Ltmp0, $4  }
0x5b: {  	[sflag:s13] =	ssyncset.done $0x0  }
0x5c: {  	s28 =	sadd.s32 $0xFFFFFF80, s26;
	[sflag:s13] =	ssyncadd.s32 $0xFFFFC000  }
0x5d: {  	[tilespmem:s18], [sflag:$0x2] =	stream.indirect.gather [hbm4b:s2+s14], $0x80, s28, s14, $0xb8;
	[tilespmem:$0x16400] =	vst v63  }
0x5e: {  	s26 =	sadd.s32 $0x200, s26  }
0x5f: {  	[tilespmem:s20], [sflag:$0x2] =	stream.indirect.gather [hbm4b:s2+s14], $0x80, s24, s14, $0xb8;
	[tilespmem:$0x16400] =	vst v63  }
0x60: {  	_ =	swait.ge [sflag:s21], $0x4000  }
0x61: {  	[sflag:s21] =	ssyncset.done $0x0  }
0x62: {  	[sflag:s21] =	ssyncadd.s32 $0xFFFFC000  }
0x63: {  	_ =	swait.ge [sflag:s21], $0x4000  }
0x64: {  	[sflag:s21] =	ssyncset.done $0x0  }
0x65: {  	[sflag:s21] =	ssyncadd.s32 $0xFFFFC000  }
0x66: {  	[hbm4b:s6+s3] =	stream.linear.scatter [tilespmem:s15], [sflag:$0x3], $0x4000, $0x38;
	[tilespmem:$0x16400] =	vst v63  }
0x67: {  	_ =	swait.ge [sflag:s13], $0x4000  }
0x68: {  	[sflag:s13] =	ssyncset.done $0x0  }
0x69: {  	[sflag:s13] =	ssyncadd.s32 $0xFFFFC000  }
0x6a: {  	[hbm4b:s7+s3] =	stream.linear.scatter [tilespmem:s16], [sflag:$0x3], $0x4000, $0x38;
	[tilespmem:$0x16400] =	vst v63  }
0x6b: {  	_ =	swait.ge [sflag:s13], $0x4000  }
0x6c: {  	[sflag:s13] =	ssyncset.done $0x0  }
0x6d: {  	[sflag:s13] =	ssyncadd.s32 $0xFFFFC000  }
0x6e: {  	_ =	swait.ge [sflag:s22], $0x4000  }
0x6f: {  	[sflag:s22] =	ssyncset.done $0x0  }
0x70: {  	[sflag:s22] =	ssyncadd.s32 $0xFFFFC000  }
0x71: {  	_ =	swait.ge [sflag:s22], $0x4000  }
0x72: {  	[sflag:s22] =	ssyncset.done $0x0  }
0x73: {  	[sflag:s22] =	ssyncadd.s32 $0xFFFFC000  }
0x74: {  	[hbm4b:s8+s3] =	stream.linear.scatter [tilespmem:s18], [sflag:$0x3], $0x4000, $0x38;
	[tilespmem:$0x16400] =	vst v63  }
0x75: {  	s23 =	sadd.s32 $0x1, s23;
	_ =	swait.ge [sflag:s13], $0x4000  }
0x76: {  	p0 =	sne.s32 s23, s5;
	[sflag:s13] =	ssyncset.done $0x0  }
.Ltmp1:
0x77: {  	[sflag:s13] =	ssyncadd.s32 $0xFFFFC000;
	(pc) =	sbr.rel @p0 .LBB2_1-.Ltmp1, $4  }
0x78: {  	[hbm4b:s10+s3] =	stream.linear.scatter [tilespmem:s20], [sflag:$0x3], $0x4000, $0x38;
	[tilespmem:$0x16400] =	vst v63  }
0x79: {  	_ =	swait.ge [sflag:s13], $0x4000  }
0x7a: {  	[sflag:s13] =	ssyncset.done $0x0  }
0x7b: {  	[sflag:s13] =	ssyncadd.s32 $0xFFFFC000  }
0x7c: {  	_ =	sfence.sel $0x180000  }
0x7d: {  	[bflag:$0x0] =	sbarrier.arrive $0xFFFF  }
0x7e: {  	p0 =	sne.s32 s0, $0x0;
	_ =	strace $0x90000047  }
0x7f: {  	s0 =	sadd.s32 @!p0 $0x100000, s1;
	[bflag:$0x2] =	sbarrier.arrive $0xFFFF  }
0x80: {  	[sflag:s0] =	ssyncadd.tile.s32 @!p0 $0x1;
	_ =	shalt  }
.Lfunc_end2:
_tile_overlayer_lowered:
.L_overlay_start_2:
0x81: {  	(tag) =	ssettag $0x2  }
0x82: {  	s0 =	rddreg [dreg:$0x0];
	s2 =	stileid.u32  }
0x83: {  	s1 =	rddreg [dreg:$0x1];
	p0 =	sne.s32 s2, $0x0  }
0x84: {  	s3 =	rddreg [dreg:$0x2];
	[bflag:$0x3] =	sbarrier.arrive $0xFFFF;
	s2 =	simm.s32 @!p0 $0x1C03  }
0x85: {  	[timem:s3], [sflag:s2] =	dma.local @!p0 [hbm:s0], s1  }
0x86: {  	s0 =	simm.s32 @!p0 $0x3  }
0x87: {  	_ =	swait.ge @!p0 [sflag:s0], s1  }
0x88: {  	s1 =	ssub.s32 @!p0 $0x0, s1;
	[sflag:s0] =	ssyncset.done @!p0 $0x0  }
0x89: {  	[sflag:s0] =	ssyncadd.s32 @!p0 s1  }
0x8a: {  	[bflag:$0x3] =	sbarrier.arrive $0xFFFF  }
0x8b: {  	_ =	shalt  }

</sc_bundles>
